<compile_context>
chip_gen: v7x
topology: tpu7x:2x2x1
jax: 0.10.2.dev20260603
libtpu: 0.0.44.dev20260713+nightly
codegen_flags: <defaults>
</compile_context>

<pallas_src>
import functools

import jax
import jax.numpy as jnp
from jax import lax
from jax.experimental import pallas as pl
from jax.experimental.pallas import tpu as pltpu
from jax.experimental.pallas import tpu_sc as plsc

N = 10000
E = 160000
NODE_DIM = 256
EDGE_DIM = 16
GLOBAL_DIM = 64
HIDDEN_DIM = 512
B_GRAPHS = 64

N_TILES = 32
CHUNK = 128
N_CHUNKS = E // CHUNK
COL_ROWS = 1280
BASE_ROWS = N_CHUNKS // N_TILES
MAX_ROWS = BASE_ROWS + 1
ROWS_PER_TILE = 640
SUM_ROWS = 10240

BLK = 2560
GRID = (N + BLK - 1) // BLK


DEPTH = 8


def _sc_scatter_body(ea_hbm, col_hbm, sums_hbm, cnt_hbm,
                     edge_v, idx_v, cnt_v, zero_v, sums_sh, sem_in, sem_sc):
    cid = lax.axis_index("c")
    sid = lax.axis_index("s")
    w = cid * 16 + sid
    base = w * BASE_ROWS + jnp.minimum(w, 2)
    nrows = jnp.where(w < 2, MAX_ROWS, BASE_ROWS)
    dma_base = jnp.minimum(base, N_CHUNKS - MAX_ROWS)
    off = base - dma_base

    in0 = pltpu.async_copy(
        ea_hbm.at[pl.ds(dma_base * CHUNK, MAX_ROWS * CHUNK)], edge_v, sem_in)
    in1 = pltpu.async_copy(col_hbm.at[pl.ds(dma_base, MAX_ROWS)], idx_v,
                           sem_in)
    zeros16 = jnp.zeros((16,), jnp.float32)

    def zero_step(i, carry):
        cnt_v[pl.ds(i * 16, 16)] = zeros16
        zero_v[i] = zeros16
        return carry

    lax.fori_loop(0, ROWS_PER_TILE, zero_step, 0)
    pltpu.sync_copy(zero_v,
                    sums_sh.at[pl.ds(sid * ROWS_PER_TILE, ROWS_PER_TILE)])
    in0.wait()
    in1.wait()
    plsc.subcore_barrier()

    ones = jnp.full((16,), 1.0, jnp.float32)

    def scatter_of(j):
        row = off + j
        return pltpu.make_async_copy(edge_v.at[pl.ds(row * CHUNK, CHUNK)],
                                     sums_sh.at[idx_v.at[row]], sem_sc)

    def chunk_step(j, carry):
        row = off + j
        scatter_of(j).start(add=True)

        @pl.when(j >= DEPTH)
        def _():
            scatter_of(j - DEPTH).wait()

        for k in range(CHUNK // 16):
            c = idx_v[row, pl.ds(k * 16, 16)]
            plsc.addupdate_scatter(cnt_v, [c], ones)
        return carry

    lax.fori_loop(0, nrows, chunk_step, 0)

    def drain_step(j, carry):
        scatter_of(j).wait()
        return carry

    lax.fori_loop(nrows - DEPTH, nrows, drain_step, 0)
    plsc.subcore_barrier()

    pltpu.sync_copy(sums_sh.at[pl.ds(sid * ROWS_PER_TILE, ROWS_PER_TILE)],
                    sums_hbm.at[cid, pl.ds(sid * ROWS_PER_TILE,
                                           ROWS_PER_TILE)])
    pltpu.sync_copy(cnt_v, cnt_hbm.at[w])


@functools.cache
def _get_sc_scatter():
    return functools.partial(
        pl.kernel,
        out_type=[
            jax.ShapeDtypeStruct((2, SUM_ROWS, EDGE_DIM), jnp.float32),
            jax.ShapeDtypeStruct((N_TILES, SUM_ROWS), jnp.float32),
        ],
        mesh=plsc.VectorSubcoreMesh(core_axis_name="c", subcore_axis_name="s",
                                    num_cores=2, num_subcores=16),
        scratch_types=[
            pltpu.VMEM((MAX_ROWS * CHUNK, EDGE_DIM), jnp.float32),
            pltpu.VMEM((MAX_ROWS, CHUNK), jnp.int32),
            pltpu.VMEM((SUM_ROWS,), jnp.float32),
            pltpu.VMEM((ROWS_PER_TILE, EDGE_DIM), jnp.float32),
            pltpu.VMEM_SHARED((SUM_ROWS, EDGE_DIM), jnp.float32),
            pltpu.SemaphoreType.DMA,
            pltpu.SemaphoreType.DMA,
        ],
        compiler_params=pltpu.CompilerParams(needs_layout_passes=False,
                                             use_tc_tiling_on_sc=False),
    )(_sc_scatter_body)


def _tc_mlp_body(x_ref, s_ref, cnt_ref, b_ref, u_ref,
                 w1x_ref, w1a_ref, w1u_ref, b1_ref, w2_ref, b2_ref, o_ref):
    ones = jnp.ones((N_TILES, 1), jnp.float32)
    c = lax.dot_general(cnt_ref[...], ones, (((0,), (0,)), ((), ())),
                        preferred_element_type=jnp.float32)
    inv = 1.0 / jnp.maximum(c, 1.0)
    oh = (b_ref[...].astype(jnp.int32)
          == lax.broadcasted_iota(jnp.int32, (BLK, B_GRAPHS), 1)
          ).astype(jnp.float32)
    uw = jnp.dot(u_ref[...], w1u_ref[...], preferred_element_type=jnp.float32)
    acc = jnp.dot(x_ref[...].astype(jnp.bfloat16), w1x_ref[...],
                  preferred_element_type=jnp.float32)
    acc = acc + jnp.dot(s_ref[0] + s_ref[1], w1a_ref[...],
                        preferred_element_type=jnp.float32) * inv
    acc = acc + jnp.dot(oh, uw, preferred_element_type=jnp.float32)
    h1 = jnp.maximum(acc + b1_ref[...], 0.0)
    o_ref[...] = (jnp.dot(h1.astype(jnp.bfloat16), w2_ref[...],
                          preferred_element_type=jnp.float32) + b2_ref[...])


def _tc_mlp(x, s, cnt, batch2d, u, w1x, w1a, w1u, b1r, w2, b2r):
    return pl.pallas_call(
        _tc_mlp_body,
        grid=(GRID,),
        in_specs=[
            pl.BlockSpec((BLK, NODE_DIM), lambda i: (i, 0)),
            pl.BlockSpec((2, BLK, EDGE_DIM), lambda i: (0, i, 0)),
            pl.BlockSpec((N_TILES, BLK), lambda i: (0, i)),
            pl.BlockSpec((BLK, 1), lambda i: (i, 0)),
            pl.BlockSpec((B_GRAPHS, GLOBAL_DIM), lambda i: (0, 0)),
            pl.BlockSpec((NODE_DIM, HIDDEN_DIM), lambda i: (0, 0)),
            pl.BlockSpec((EDGE_DIM, HIDDEN_DIM), lambda i: (0, 0)),
            pl.BlockSpec((GLOBAL_DIM, HIDDEN_DIM), lambda i: (0, 0)),
            pl.BlockSpec((1, HIDDEN_DIM), lambda i: (0, 0)),
            pl.BlockSpec((HIDDEN_DIM, NODE_DIM), lambda i: (0, 0)),
            pl.BlockSpec((1, NODE_DIM), lambda i: (0, 0)),
        ],
        out_specs=pl.BlockSpec((BLK, NODE_DIM), lambda i: (i, 0)),
        out_shape=jax.ShapeDtypeStruct((N, NODE_DIM), jnp.float32),
        compiler_params=pltpu.CompilerParams(
            dimension_semantics=("arbitrary",)),
    )(x, s, cnt, batch2d, u, w1x, w1a, w1u, b1r, w2, b2r)


def kernel(x, edge_index, edge_attr, u, batch, W1, b1, W2, b2):
    col = edge_index[1].astype(jnp.int32)
    col2d = jnp.concatenate(
        [col, jnp.zeros(((COL_ROWS - N_CHUNKS) * CHUNK,), jnp.int32)]
    ).reshape(COL_ROWS, CHUNK)
    sums, cnt = _get_sc_scatter()(edge_attr, col2d)
    sums_bf = sums.astype(jnp.bfloat16)

    batch2d = batch.astype(jnp.int8).reshape(N, 1)
    w1x = W1[:NODE_DIM].astype(jnp.bfloat16)
    w1a = W1[NODE_DIM:NODE_DIM + EDGE_DIM].astype(jnp.bfloat16)
    w1u = W1[NODE_DIM + EDGE_DIM:]
    b1r = b1.reshape(1, HIDDEN_DIM)
    b2r = b2.reshape(1, NODE_DIM)
    w2_bf = W2.astype(jnp.bfloat16)
    return _tc_mlp(x, sums_bf, cnt, batch2d, u, w1x, w1a, w1u, b1r, w2_bf,
                   b2r)

# --- scband reference (transcript-rebuilt; emitter-appended) ---
"""Pipeline reference for scband-node-model-146028888379 (READ-ONLY COPY).

The authoritative reference and input builder live on the scoring server;
editing this copy changes nothing except your own understanding.
"""

import jax, jax.numpy as jnp
import numpy as np

N = 10000
E = 160000
NODE_DIM = 256
EDGE_DIM = 16
GLOBAL_DIM = 64
HIDDEN_DIM = 512
B_GRAPHS = 64


def _xavier(key, shape):
    fan_in, fan_out = shape[0], shape[1]
    limit = np.sqrt(6.0 / (fan_in + fan_out))
    return jax.random.uniform(key, shape, dtype=jnp.float32, minval=-limit, maxval=limit)


def setup_inputs(seed: int = 0) -> dict:
    key = jax.random.key(seed)
    ks = jax.random.split(key, 8)
    x = jax.random.normal(ks[0], (N, NODE_DIM), dtype=jnp.float32)
    edge_index = jax.random.randint(ks[1], (2, E), 0, N, dtype=jnp.int64)
    edge_attr = jax.random.normal(ks[2], (E, EDGE_DIM), dtype=jnp.float32)
    u = jax.random.normal(ks[3], (B_GRAPHS, GLOBAL_DIM), dtype=jnp.float32)
    batch = jnp.sort(jax.random.randint(ks[4], (N,), 0, B_GRAPHS, dtype=jnp.int64))
    in_dim = NODE_DIM + EDGE_DIM + GLOBAL_DIM
    W1 = _xavier(ks[5], (in_dim, HIDDEN_DIM))
    b1 = jnp.zeros((HIDDEN_DIM,), dtype=jnp.float32)
    W2 = _xavier(ks[6], (HIDDEN_DIM, NODE_DIM))
    b2 = jnp.zeros((NODE_DIM,), dtype=jnp.float32)
    return {"x": x, "edge_index": edge_index, "edge_attr": edge_attr, "u": u, "batch": batch,
            "W1": W1, "b1": b1, "W2": W2, "b2": b2}


def reference(x, edge_index, edge_attr, u, batch, W1, b1, W2, b2):
    col = edge_index[1]
    n_nodes = x.shape[0]
    # scatter_mean(edge_attr, col, dim=0, dim_size=N)
    sums = jax.ops.segment_sum(edge_attr, col, num_segments=n_nodes)
    counts = jax.ops.segment_sum(jnp.ones((edge_attr.shape[0],), dtype=jnp.float32), col, num_segments=n_nodes)
    agg = sums / jnp.clip(counts, 1.0)[:, None]
    u_per_node = u[batch]
    h = jnp.concatenate([x, agg, u_per_node], axis=-1)
    h1 = jax.nn.relu(h @ W1 + b1)
    out = h1 @ W2 + b2
    return out

if __name__ == "__main__":
    import jax
    _d = setup_inputs()
    print(jax.jit(kernel)(*tuple(_d.values())))

</pallas_src>

<mosaic_0001>
#map = affine_map<(d0, d1) -> (0, 0)>
#map1 = affine_map<(d0, d1) -> (0, 0, 0)>
module attributes {stable_mosaic.version = 14 : i64} {
  func.func @_sc_scatter_body(%arg0: i32, %arg1: i32, %arg2: memref<160000x16xf32, #tpu.memory_space<hbm>>, %arg3: memref<1280x128xi32, #tpu.memory_space<hbm>>, %arg4: memref<2x10240x16xf32, #tpu.memory_space<hbm>>, %arg5: memref<32x10240xf32, #tpu.memory_space<hbm>>, %arg6: memref<5120x16xf32, #tpu.memory_space<vmem>>, %arg7: memref<40x128xi32, #tpu.memory_space<vmem>>, %arg8: memref<10240xf32, #tpu.memory_space<vmem>>, %arg9: memref<640x16xf32, #tpu.memory_space<vmem>>, %arg10: memref<10240x16xf32, #tpu.memory_space<vmem_shared>>, %arg11: memref<!tpu.dma_semaphore, #tpu.memory_space<semaphore_mem>>, %arg12: memref<!tpu.dma_semaphore, #tpu.memory_space<semaphore_mem>>) attributes {dimension_semantics = [#tpu.dimension_semantics<core_parallel>, #tpu.dimension_semantics<subcore_parallel>], iteration_bounds = array<i64: 2, 16>, scalar_prefetch = 0 : i64, scratch_operands = 7 : i64, tpu.core_type = #tpu.core_type<sc_vector_subcore>, window_params = [{transform_indices = #map}, {transform_indices = #map}, {transform_indices = #map1}, {transform_indices = #map}]} {
    %mul3A = arith.constant 16 : i32
    %mul3A_0 = arith.muli %arg0, %mul3A : i32
    %add3A = arith.addi %mul3A_0, %arg1 : i32
    %mul3A_1 = arith.constant 39 : i32
    %mul3A_2 = arith.muli %add3A, %mul3A_1 : i32
    %min3A = arith.constant 2 : i32
    %min3A_3 = arith.minsi %add3A, %min3A : i32
    %add3A_4 = arith.addi %mul3A_2, %min3A_3 : i32
    %lt3A = arith.constant 2 : i32
    %lt3A_5 = arith.cmpi slt, %add3A, %lt3A : i32
    %jit3A = arith.constant 40 : i32
    %jit3A_6 = arith.constant 39 : i32
    %select_n3A = arith.select %lt3A_5, %jit3A, %jit3A_6 : i32
    %min3A_7 = arith.constant 1210 : i32
    %min3A_8 = arith.minsi %add3A_4, %min3A_7 : i32
    %sub3A = arith.subi %add3A_4, %min3A_8 : i32
    %mul3A_9 = arith.constant 128 : i32
    %mul3A_10 = arith.muli %min3A_8, %mul3A_9 : i32
    %dma_start3A = arith.constant 0 : i32
    %dma_start3A_11 = tpu.memref_slice %arg2[%mul3A_10, %dma_start3A] : memref<160000x16xf32, #tpu.memory_space<hbm>> -> memref<5120x16xf32, #tpu.memory_space<hbm>>
    %dma_start3A_12 = arith.constant 0 : i32
    %dma_start3A_13 = tpu.memref_slice %arg2[%mul3A_10, %dma_start3A_12] : memref<160000x16xf32, #tpu.memory_space<hbm>> -> memref<5120x16xf32, #tpu.memory_space<hbm>>
    tpu.enqueue_dma source(%dma_start3A_13 : memref<5120x16xf32, #tpu.memory_space<hbm>>) target(%arg6 : memref<5120x16xf32, #tpu.memory_space<vmem>>) target_semaphore(%arg11 : memref<!tpu.dma_semaphore, #tpu.memory_space<semaphore_mem>>)
    %dma_start3A_14 = arith.constant 0 : i32
    %dma_start3A_15 = tpu.memref_slice %arg3[%min3A_8, %dma_start3A_14] : memref<1280x128xi32, #tpu.memory_space<hbm>> -> memref<40x128xi32, #tpu.memory_space<hbm>>
    %dma_start3A_16 = arith.constant 0 : i32
    %dma_start3A_17 = tpu.memref_slice %arg3[%min3A_8, %dma_start3A_16] : memref<1280x128xi32, #tpu.memory_space<hbm>> -> memref<40x128xi32, #tpu.memory_space<hbm>>
    tpu.enqueue_dma source(%dma_start3A_17 : memref<40x128xi32, #tpu.memory_space<hbm>>) target(%arg7 : memref<40x128xi32, #tpu.memory_space<vmem>>) target_semaphore(%arg11 : memref<!tpu.dma_semaphore, #tpu.memory_space<semaphore_mem>>)
    %broadcast_in_dim3A = arith.constant 0.000000e+00 : f32
    %broadcast_in_dim3A_18 = vector.broadcast %broadcast_in_dim3A : f32 to vector<16xf32>
    %scan3A = arith.constant 0 : i32
    %scan3A_19 = arith.constant 0 : i32
    %scan3A_20 = arith.constant 640 : i32
    %scan3A_21 = arith.addi %scan3A_19, %scan3A_20 : i32
    %scan3A_22 = arith.constant 1 : i32
    scf.for %scan3A_60 = %scan3A_19 to %scan3A_21 step %scan3A_22  : i32 {
      %mul3A_61 = arith.constant 16 : i32
      %mul3A_62 = arith.muli %scan3A_60, %mul3A_61 : i32
      %swap3A = arith.index_cast %mul3A_62 : i32 to index
      %swap3A_63 = tpu.vector_load %arg8[%swap3A] {strides = array<i32>} : memref<10240xf32, #tpu.memory_space<vmem>>, vector<16xf32>,
      tpu.vector_store %arg8[%swap3A], %broadcast_in_dim3A_18 {strides = array<i32>} : memref<10240xf32, #tpu.memory_space<vmem>>, vector<16xf32>,
      %swap3A_64 = arith.index_cast %scan3A_60 : i32 to index
      %swap3A_65 = arith.constant 0 : index
      %swap3A_66 = tpu.vector_load %arg9[%swap3A_64, %swap3A_65] {strides = array<i32>} : memref<640x16xf32, #tpu.memory_space<vmem>>, vector<16xf32>,
      tpu.vector_store %arg9[%swap3A_64, %swap3A_65], %broadcast_in_dim3A_18 {strides = array<i32>} : memref<640x16xf32, #tpu.memory_space<vmem>>, vector<16xf32>,
    }
    %scan3A_23 = arith.constant 640 : i32
    %mul3A_24 = arith.constant 640 : i32
    %mul3A_25 = arith.muli %arg1, %mul3A_24 : i32
    "tpu.region"() ({
      %run_scoped3A = tpu.sem_alloc : memref<!tpu.dma_semaphore, #tpu.memory_space<semaphore_mem>>
      %dma_start3A_60 = arith.constant 0 : i32
      %dma_start3A_61 = tpu.memref_slice %arg10[%mul3A_25, %dma_start3A_60] : memref<10240x16xf32, #tpu.memory_space<vmem_shared>> -> memref<640x16xf32, #tpu.memory_space<vmem_shared>>
      %dma_start3A_62 = arith.constant 0 : i32
      %dma_start3A_63 = tpu.memref_slice %arg10[%mul3A_25, %dma_start3A_62] : memref<10240x16xf32, #tpu.memory_space<vmem_shared>> -> memref<640x16xf32, #tpu.memory_space<vmem_shared>>
      tpu.enqueue_dma source(%arg9 : memref<640x16xf32, #tpu.memory_space<vmem>>) target(%dma_start3A_63 : memref<640x16xf32, #tpu.memory_space<vmem_shared>>) target_semaphore(%run_scoped3A : memref<!tpu.dma_semaphore, #tpu.memory_space<semaphore_mem>>)
      %dma_wait3A_64 = arith.constant 0 : i32
      %dma_wait3A_65 = tpu.memref_slice %arg10[%mul3A_25, %dma_wait3A_64] : memref<10240x16xf32, #tpu.memory_space<vmem_shared>> -> memref<640x16xf32, #tpu.memory_space<vmem_shared>>
      %dma_wait3A_66 = arith.constant 0 : i32
      %dma_wait3A_67 = tpu.memref_slice %arg10[%mul3A_25, %dma_wait3A_66] : memref<10240x16xf32, #tpu.memory_space<vmem_shared>> -> memref<640x16xf32, #tpu.memory_space<vmem_shared>>
      tpu.wait_dma2 semaphore(%run_scoped3A : memref<!tpu.dma_semaphore, #tpu.memory_space<semaphore_mem>>) src(%arg9 : memref<640x16xf32, #tpu.memory_space<vmem>>) dst(%dma_wait3A_67 : memref<640x16xf32, #tpu.memory_space<vmem_shared>>)
      tpu.yield
    }) : () -> ()
    %dma_wait3A = arith.constant 0 : i32
    %dma_wait3A_26 = tpu.memref_slice %arg2[%mul3A_10, %dma_wait3A] : memref<160000x16xf32, #tpu.memory_space<hbm>> -> memref<5120x16xf32, #tpu.memory_space<hbm>>
    %dma_wait3A_27 = arith.constant 0 : i32
    %dma_wait3A_28 = tpu.memref_slice %arg2[%mul3A_10, %dma_wait3A_27] : memref<160000x16xf32, #tpu.memory_space<hbm>> -> memref<5120x16xf32, #tpu.memory_space<hbm>>
    tpu.wait_dma2 semaphore(%arg11 : memref<!tpu.dma_semaphore, #tpu.memory_space<semaphore_mem>>) src(%dma_wait3A_28 : memref<5120x16xf32, #tpu.memory_space<hbm>>) dst(%arg6 : memref<5120x16xf32, #tpu.memory_space<vmem>>)
    %dma_wait3A_29 = arith.constant 0 : i32
    %dma_wait3A_30 = tpu.memref_slice %arg3[%min3A_8, %dma_wait3A_29] : memref<1280x128xi32, #tpu.memory_space<hbm>> -> memref<40x128xi32, #tpu.memory_space<hbm>>
    %dma_wait3A_31 = arith.constant 0 : i32
    %dma_wait3A_32 = tpu.memref_slice %arg3[%min3A_8, %dma_wait3A_31] : memref<1280x128xi32, #tpu.memory_space<hbm>> -> memref<40x128xi32, #tpu.memory_space<hbm>>
    tpu.wait_dma2 semaphore(%arg11 : memref<!tpu.dma_semaphore, #tpu.memory_space<semaphore_mem>>) src(%dma_wait3A_32 : memref<40x128xi32, #tpu.memory_space<hbm>>) dst(%arg7 : memref<40x128xi32, #tpu.memory_space<vmem>>)
    %barrier3A = arith.constant 0 : index
    tpu.barrier barrier_id(%barrier3A)
    %broadcast_in_dim3A_33 = arith.constant 1.000000e+00 : f32
    %broadcast_in_dim3A_34 = vector.broadcast %broadcast_in_dim3A_33 : f32 to vector<16xf32>
    %while3A = arith.constant 0 : i32
    %while3A_35 = arith.constant 0 : i32
    %while3A_36 = arith.subi %select_n3A, %while3A_35 : i32
    %while3A_37 = arith.addi %while3A_35, %while3A_36 : i32
    %while3A_38 = arith.constant 1 : i32
    %while3A_39 = arith.divsi %while3A_36, %while3A_38 : i32
    %while3A_40 = arith.muli %while3A_39, %while3A_38 : i32
    %while3A_41 = arith.addi %while3A_35, %while3A_40 : i32
    %while3A_42 = arith.constant 1 : i32
    scf.for %while3A_60 = %while3A_35 to %while3A_41 step %while3A_42  : i32 {
      %add3A_61 = arith.addi %sub3A, %while3A_60 : i32
      %add3A_62 = arith.addi %sub3A, %while3A_60 : i32
      %mul3A_63 = arith.constant 128 : i32
      %mul3A_64 = arith.muli %add3A_62, %mul3A_63 : i32
      %dma_start3A_65 = arith.constant 0 : i32
      %dma_start3A_66 = tpu.memref_slice %arg6[%mul3A_64, %dma_start3A_65] : memref<5120x16xf32, #tpu.memory_space<vmem>> -> memref<128x16xf32, #tpu.memory_space<vmem>>
      %dma_start3A_67 = arith.constant 0 : i32
      %dma_start3A_68 = tpu.memref_slice %arg7[%add3A_62, %dma_start3A_67] : memref<40x128xi32, #tpu.memory_space<vmem>> -> memref<1x128xi32, #tpu.memory_space<vmem>>
      %dma_start3A_69 = tpu.memref_squeeze %dma_start3A_68 : memref<1x128xi32, #tpu.memory_space<vmem>> -> memref<128xi32, #tpu.memory_space<vmem>>
      %dma_start3A_70 = arith.constant 0 : i32
      %dma_start3A_71 = arith.constant 0 : i32
      %dma_start3A_72 = tpu.memref_slice %arg10[%dma_start3A_70, %dma_start3A_71] : memref<10240x16xf32, #tpu.memory_space<vmem_shared>> -> memref<10240x16xf32, #tpu.memory_space<vmem_shared>>
      tpu.enqueue_indirect_dma source(%dma_start3A_66 : memref<128x16xf32, #tpu.memory_space<vmem>>) target(%dma_start3A_72 : memref<10240x16xf32, #tpu.memory_space<vmem_shared>>) offsets(%dma_start3A_69 : memref<128xi32, #tpu.memory_space<vmem>>) semaphore(%arg12 : memref<!tpu.dma_semaphore, #tpu.memory_space<semaphore_mem>>) {add = true}
      %ge3A = arith.constant 8 : i32
      %ge3A_73 = arith.cmpi sge, %while3A_60, %ge3A : i32
      %convert_element_type3A = arith.extui %ge3A_73 : i1 to i32
      %cond3A = arith.constant 0 : i32
      %cond3A_74 = arith.cmpi ne, %convert_element_type3A, %cond3A : i32
      scf.if %cond3A_74 {
        %sub3A_98 = arith.constant 8 : i32
        %sub3A_99 = arith.subi %while3A_60, %sub3A_98 : i32
        %add3A_100 = arith.addi %sub3A, %sub3A_99 : i32
        %mul3A_101 = arith.constant 128 : i32
        %mul3A_102 = arith.muli %add3A_100, %mul3A_101 : i32
        %dma_wait3A_103 = arith.constant 0 : i32
        %dma_wait3A_104 = tpu.memref_slice %arg6[%mul3A_102, %dma_wait3A_103] : memref<5120x16xf32, #tpu.memory_space<vmem>> -> memref<128x16xf32, #tpu.memory_space<vmem>>
        %dma_wait3A_105 = arith.constant 0 : i32
        %dma_wait3A_106 = tpu.memref_slice %arg7[%add3A_100, %dma_wait3A_105] : memref<40x128xi32, #tpu.memory_space<vmem>> -> memref<1x128xi32, #tpu.memory_space<vmem>>
        %dma_wait3A_107 = tpu.memref_squeeze %dma_wait3A_106 : memref<1x128xi32, #tpu.memory_space<vmem>> -> memref<128xi32, #tpu.memory_space<vmem>>
        %dma_wait3A_108 = arith.constant 0 : i32
        %dma_wait3A_109 = arith.constant 0 : i32
        %dma_wait3A_110 = tpu.memref_slice %arg10[%dma_wait3A_108, %dma_wait3A_109] : memref<10240x16xf32, #tpu.memory_space<vmem_shared>> -> memref<10240x16xf32, #tpu.memory_space<vmem_shared>>
        tpu.wait_indirect_dma semaphore(%arg12 : memref<!tpu.dma_semaphore, #tpu.memory_space<semaphore_mem>>) src(%dma_wait3A_104 : memref<128x16xf32, #tpu.memory_space<vmem>>) dst(%dma_wait3A_110 : memref<10240x16xf32, #tpu.memory_space<vmem_shared>>)
      } else {
      }
      %get3A = arith.index_cast %add3A_61 : i32 to index
      %get3A_75 = arith.constant 0 : index
      %get3A_76 = tpu.vector_load %arg7[%get3A, %get3A_75] {strides = array<i32>} : memref<40x128xi32, #tpu.memory_space<vmem>>, vector<16xi32>,
      tpu.vector_store_idx %arg8[%get3A_76], %broadcast_in_dim3A_34 {add = true} : memref<10240xf32, #tpu.memory_space<vmem>>[vector<16xi32>], vector<16xf32>,
      %get3A_77 = arith.index_cast %add3A_61 : i32 to index
      %get3A_78 = arith.constant 16 : index
      %get3A_79 = tpu.vector_load %arg7[%get3A_77, %get3A_78] {strides = array<i32>} : memref<40x128xi32, #tpu.memory_space<vmem>>, vector<16xi32>,
      tpu.vector_store_idx %arg8[%get3A_79], %broadcast_in_dim3A_34 {add = true} : memref<10240xf32, #tpu.memory_space<vmem>>[vector<16xi32>], vector<16xf32>,
      %get3A_80 = arith.index_cast %add3A_61 : i32 to index
      %get3A_81 = arith.constant 32 : index
      %get3A_82 = tpu.vector_load %arg7[%get3A_80, %get3A_81] {strides = array<i32>} : memref<40x128xi32, #tpu.memory_space<vmem>>, vector<16xi32>,
      tpu.vector_store_idx %arg8[%get3A_82], %broadcast_in_dim3A_34 {add = true} : memref<10240xf32, #tpu.memory_space<vmem>>[vector<16xi32>], vector<16xf32>,
      %get3A_83 = arith.index_cast %add3A_61 : i32 to index
      %get3A_84 = arith.constant 48 : index
      %get3A_85 = tpu.vector_load %arg7[%get3A_83, %get3A_84] {strides = array<i32>} : memref<40x128xi32, #tpu.memory_space<vmem>>, vector<16xi32>,
      tpu.vector_store_idx %arg8[%get3A_85], %broadcast_in_dim3A_34 {add = true} : memref<10240xf32, #tpu.memory_space<vmem>>[vector<16xi32>], vector<16xf32>,
      %get3A_86 = arith.index_cast %add3A_61 : i32 to index
      %get3A_87 = arith.constant 64 : index
      %get3A_88 = tpu.vector_load %arg7[%get3A_86, %get3A_87] {strides = array<i32>} : memref<40x128xi32, #tpu.memory_space<vmem>>, vector<16xi32>,
      tpu.vector_store_idx %arg8[%get3A_88], %broadcast_in_dim3A_34 {add = true} : memref<10240xf32, #tpu.memory_space<vmem>>[vector<16xi32>], vector<16xf32>,
      %get3A_89 = arith.index_cast %add3A_61 : i32 to index
      %get3A_90 = arith.constant 80 : index
      %get3A_91 = tpu.vector_load %arg7[%get3A_89, %get3A_90] {strides = array<i32>} : memref<40x128xi32, #tpu.memory_space<vmem>>, vector<16xi32>,
      tpu.vector_store_idx %arg8[%get3A_91], %broadcast_in_dim3A_34 {add = true} : memref<10240xf32, #tpu.memory_space<vmem>>[vector<16xi32>], vector<16xf32>,
      %get3A_92 = arith.index_cast %add3A_61 : i32 to index
      %get3A_93 = arith.constant 96 : index
      %get3A_94 = tpu.vector_load %arg7[%get3A_92, %get3A_93] {strides = array<i32>} : memref<40x128xi32, #tpu.memory_space<vmem>>, vector<16xi32>,
      tpu.vector_store_idx %arg8[%get3A_94], %broadcast_in_dim3A_34 {add = true} : memref<10240xf32, #tpu.memory_space<vmem>>[vector<16xi32>], vector<16xf32>,
      %get3A_95 = arith.index_cast %add3A_61 : i32 to index
      %get3A_96 = arith.constant 112 : index
      %get3A_97 = tpu.vector_load %arg7[%get3A_95, %get3A_96] {strides = array<i32>} : memref<40x128xi32, #tpu.memory_space<vmem>>, vector<16xi32>,
      tpu.vector_store_idx %arg8[%get3A_97], %broadcast_in_dim3A_34 {add = true} : memref<10240xf32, #tpu.memory_space<vmem>>[vector<16xi32>], vector<16xf32>,
    }
    %while3A_43 = arith.constant 1 : i32
    scf.for %while3A_60 = %while3A_41 to %while3A_37 step %while3A_43  : i32 {
      %add3A_61 = arith.addi %sub3A, %while3A_60 : i32
      %add3A_62 = arith.addi %sub3A, %while3A_60 : i32
      %mul3A_63 = arith.constant 128 : i32
      %mul3A_64 = arith.muli %add3A_62, %mul3A_63 : i32
      %dma_start3A_65 = arith.constant 0 : i32
      %dma_start3A_66 = tpu.memref_slice %arg6[%mul3A_64, %dma_start3A_65] : memref<5120x16xf32, #tpu.memory_space<vmem>> -> memref<128x16xf32, #tpu.memory_space<vmem>>
      %dma_start3A_67 = arith.constant 0 : i32
      %dma_start3A_68 = tpu.memref_slice %arg7[%add3A_62, %dma_start3A_67] : memref<40x128xi32, #tpu.memory_space<vmem>> -> memref<1x128xi32, #tpu.memory_space<vmem>>
      %dma_start3A_69 = tpu.memref_squeeze %dma_start3A_68 : memref<1x128xi32, #tpu.memory_space<vmem>> -> memref<128xi32, #tpu.memory_space<vmem>>
      %dma_start3A_70 = arith.constant 0 : i32
      %dma_start3A_71 = arith.constant 0 : i32
      %dma_start3A_72 = tpu.memref_slice %arg10[%dma_start3A_70, %dma_start3A_71] : memref<10240x16xf32, #tpu.memory_space<vmem_shared>> -> memref<10240x16xf32, #tpu.memory_space<vmem_shared>>
      tpu.enqueue_indirect_dma source(%dma_start3A_66 : memref<128x16xf32, #tpu.memory_space<vmem>>) target(%dma_start3A_72 : memref<10240x16xf32, #tpu.memory_space<vmem_shared>>) offsets(%dma_start3A_69 : memref<128xi32, #tpu.memory_space<vmem>>) semaphore(%arg12 : memref<!tpu.dma_semaphore, #tpu.memory_space<semaphore_mem>>) {add = true}
      %ge3A = arith.constant 8 : i32
      %ge3A_73 = arith.cmpi sge, %while3A_60, %ge3A : i32
      %convert_element_type3A = arith.extui %ge3A_73 : i1 to i32
      %cond3A = arith.constant 0 : i32
      %cond3A_74 = arith.cmpi ne, %convert_element_type3A, %cond3A : i32
      scf.if %cond3A_74 {
        %sub3A_98 = arith.constant 8 : i32
        %sub3A_99 = arith.subi %while3A_60, %sub3A_98 : i32
        %add3A_100 = arith.addi %sub3A, %sub3A_99 : i32
        %mul3A_101 = arith.constant 128 : i32
        %mul3A_102 = arith.muli %add3A_100, %mul3A_101 : i32
        %dma_wait3A_103 = arith.constant 0 : i32
        %dma_wait3A_104 = tpu.memref_slice %arg6[%mul3A_102, %dma_wait3A_103] : memref<5120x16xf32, #tpu.memory_space<vmem>> -> memref<128x16xf32, #tpu.memory_space<vmem>>
        %dma_wait3A_105 = arith.constant 0 : i32
        %dma_wait3A_106 = tpu.memref_slice %arg7[%add3A_100, %dma_wait3A_105] : memref<40x128xi32, #tpu.memory_space<vmem>> -> memref<1x128xi32, #tpu.memory_space<vmem>>
        %dma_wait3A_107 = tpu.memref_squeeze %dma_wait3A_106 : memref<1x128xi32, #tpu.memory_space<vmem>> -> memref<128xi32, #tpu.memory_space<vmem>>
        %dma_wait3A_108 = arith.constant 0 : i32
        %dma_wait3A_109 = arith.constant 0 : i32
        %dma_wait3A_110 = tpu.memref_slice %arg10[%dma_wait3A_108, %dma_wait3A_109] : memref<10240x16xf32, #tpu.memory_space<vmem_shared>> -> memref<10240x16xf32, #tpu.memory_space<vmem_shared>>
        tpu.wait_indirect_dma semaphore(%arg12 : memref<!tpu.dma_semaphore, #tpu.memory_space<semaphore_mem>>) src(%dma_wait3A_104 : memref<128x16xf32, #tpu.memory_space<vmem>>) dst(%dma_wait3A_110 : memref<10240x16xf32, #tpu.memory_space<vmem_shared>>)
      } else {
      }
      %get3A = arith.index_cast %add3A_61 : i32 to index
      %get3A_75 = arith.constant 0 : index
      %get3A_76 = tpu.vector_load %arg7[%get3A, %get3A_75] {strides = array<i32>} : memref<40x128xi32, #tpu.memory_space<vmem>>, vector<16xi32>,
      tpu.vector_store_idx %arg8[%get3A_76], %broadcast_in_dim3A_34 {add = true} : memref<10240xf32, #tpu.memory_space<vmem>>[vector<16xi32>], vector<16xf32>,
      %get3A_77 = arith.index_cast %add3A_61 : i32 to index
      %get3A_78 = arith.constant 16 : index
      %get3A_79 = tpu.vector_load %arg7[%get3A_77, %get3A_78] {strides = array<i32>} : memref<40x128xi32, #tpu.memory_space<vmem>>, vector<16xi32>,
      tpu.vector_store_idx %arg8[%get3A_79], %broadcast_in_dim3A_34 {add = true} : memref<10240xf32, #tpu.memory_space<vmem>>[vector<16xi32>], vector<16xf32>,
      %get3A_80 = arith.index_cast %add3A_61 : i32 to index
      %get3A_81 = arith.constant 32 : index
      %get3A_82 = tpu.vector_load %arg7[%get3A_80, %get3A_81] {strides = array<i32>} : memref<40x128xi32, #tpu.memory_space<vmem>>, vector<16xi32>,
      tpu.vector_store_idx %arg8[%get3A_82], %broadcast_in_dim3A_34 {add = true} : memref<10240xf32, #tpu.memory_space<vmem>>[vector<16xi32>], vector<16xf32>,
      %get3A_83 = arith.index_cast %add3A_61 : i32 to index
      %get3A_84 = arith.constant 48 : index
      %get3A_85 = tpu.vector_load %arg7[%get3A_83, %get3A_84] {strides = array<i32>} : memref<40x128xi32, #tpu.memory_space<vmem>>, vector<16xi32>,
      tpu.vector_store_idx %arg8[%get3A_85], %broadcast_in_dim3A_34 {add = true} : memref<10240xf32, #tpu.memory_space<vmem>>[vector<16xi32>], vector<16xf32>,
      %get3A_86 = arith.index_cast %add3A_61 : i32 to index
      %get3A_87 = arith.constant 64 : index
      %get3A_88 = tpu.vector_load %arg7[%get3A_86, %get3A_87] {strides = array<i32>} : memref<40x128xi32, #tpu.memory_space<vmem>>, vector<16xi32>,
      tpu.vector_store_idx %arg8[%get3A_88], %broadcast_in_dim3A_34 {add = true} : memref<10240xf32, #tpu.memory_space<vmem>>[vector<16xi32>], vector<16xf32>,
      %get3A_89 = arith.index_cast %add3A_61 : i32 to index
      %get3A_90 = arith.constant 80 : index
      %get3A_91 = tpu.vector_load %arg7[%get3A_89, %get3A_90] {strides = array<i32>} : memref<40x128xi32, #tpu.memory_space<vmem>>, vector<16xi32>,
      tpu.vector_store_idx %arg8[%get3A_91], %broadcast_in_dim3A_34 {add = true} : memref<10240xf32, #tpu.memory_space<vmem>>[vector<16xi32>], vector<16xf32>,
      %get3A_92 = arith.index_cast %add3A_61 : i32 to index
      %get3A_93 = arith.constant 96 : index
      %get3A_94 = tpu.vector_load %arg7[%get3A_92, %get3A_93] {strides = array<i32>} : memref<40x128xi32, #tpu.memory_space<vmem>>, vector<16xi32>,
      tpu.vector_store_idx %arg8[%get3A_94], %broadcast_in_dim3A_34 {add = true} : memref<10240xf32, #tpu.memory_space<vmem>>[vector<16xi32>], vector<16xf32>,
      %get3A_95 = arith.index_cast %add3A_61 : i32 to index
      %get3A_96 = arith.constant 112 : index
      %get3A_97 = tpu.vector_load %arg7[%get3A_95, %get3A_96] {strides = array<i32>} : memref<40x128xi32, #tpu.memory_space<vmem>>, vector<16xi32>,
      tpu.vector_store_idx %arg8[%get3A_97], %broadcast_in_dim3A_34 {add = true} : memref<10240xf32, #tpu.memory_space<vmem>>[vector<16xi32>], vector<16xf32>,
    }
    %sub3A_44 = arith.constant 8 : i32
    %sub3A_45 = arith.subi %select_n3A, %sub3A_44 : i32
    %while3A_46 = arith.constant 0 : i32
    %while3A_47 = arith.subi %select_n3A, %sub3A_45 : i32
    %while3A_48 = arith.addi %sub3A_45, %while3A_47 : i32
    %while3A_49 = arith.constant 1 : i32
    %while3A_50 = arith.divsi %while3A_47, %while3A_49 : i32
    %while3A_51 = arith.muli %while3A_50, %while3A_49 : i32
    %while3A_52 = arith.addi %sub3A_45, %while3A_51 : i32
    %while3A_53 = arith.constant 1 : i32
    scf.for %while3A_60 = %sub3A_45 to %while3A_52 step %while3A_53  : i32 {
      %add3A_61 = arith.addi %sub3A, %while3A_60 : i32
      %mul3A_62 = arith.constant 128 : i32
      %mul3A_63 = arith.muli %add3A_61, %mul3A_62 : i32
      %dma_wait3A_64 = arith.constant 0 : i32
      %dma_wait3A_65 = tpu.memref_slice %arg6[%mul3A_63, %dma_wait3A_64] : memref<5120x16xf32, #tpu.memory_space<vmem>> -> memref<128x16xf32, #tpu.memory_space<vmem>>
      %dma_wait3A_66 = arith.constant 0 : i32
      %dma_wait3A_67 = tpu.memref_slice %arg7[%add3A_61, %dma_wait3A_66] : memref<40x128xi32, #tpu.memory_space<vmem>> -> memref<1x128xi32, #tpu.memory_space<vmem>>
      %dma_wait3A_68 = tpu.memref_squeeze %dma_wait3A_67 : memref<1x128xi32, #tpu.memory_space<vmem>> -> memref<128xi32, #tpu.memory_space<vmem>>
      %dma_wait3A_69 = arith.constant 0 : i32
      %dma_wait3A_70 = arith.constant 0 : i32
      %dma_wait3A_71 = tpu.memref_slice %arg10[%dma_wait3A_69, %dma_wait3A_70] : memref<10240x16xf32, #tpu.memory_space<vmem_shared>> -> memref<10240x16xf32, #tpu.memory_space<vmem_shared>>
      tpu.wait_indirect_dma semaphore(%arg12 : memref<!tpu.dma_semaphore, #tpu.memory_space<semaphore_mem>>) src(%dma_wait3A_65 : memref<128x16xf32, #tpu.memory_space<vmem>>) dst(%dma_wait3A_71 : memref<10240x16xf32, #tpu.memory_space<vmem_shared>>)
    }
    %while3A_54 = arith.constant 1 : i32
    scf.for %while3A_60 = %while3A_52 to %while3A_48 step %while3A_54  : i32 {
      %add3A_61 = arith.addi %sub3A, %while3A_60 : i32
      %mul3A_62 = arith.constant 128 : i32
      %mul3A_63 = arith.muli %add3A_61, %mul3A_62 : i32
      %dma_wait3A_64 = arith.constant 0 : i32
      %dma_wait3A_65 = tpu.memref_slice %arg6[%mul3A_63, %dma_wait3A_64] : memref<5120x16xf32, #tpu.memory_space<vmem>> -> memref<128x16xf32, #tpu.memory_space<vmem>>
      %dma_wait3A_66 = arith.constant 0 : i32
      %dma_wait3A_67 = tpu.memref_slice %arg7[%add3A_61, %dma_wait3A_66] : memref<40x128xi32, #tpu.memory_space<vmem>> -> memref<1x128xi32, #tpu.memory_space<vmem>>
      %dma_wait3A_68 = tpu.memref_squeeze %dma_wait3A_67 : memref<1x128xi32, #tpu.memory_space<vmem>> -> memref<128xi32, #tpu.memory_space<vmem>>
      %dma_wait3A_69 = arith.constant 0 : i32
      %dma_wait3A_70 = arith.constant 0 : i32
      %dma_wait3A_71 = tpu.memref_slice %arg10[%dma_wait3A_69, %dma_wait3A_70] : memref<10240x16xf32, #tpu.memory_space<vmem_shared>> -> memref<10240x16xf32, #tpu.memory_space<vmem_shared>>
      tpu.wait_indirect_dma semaphore(%arg12 : memref<!tpu.dma_semaphore, #tpu.memory_space<semaphore_mem>>) src(%dma_wait3A_65 : memref<128x16xf32, #tpu.memory_space<vmem>>) dst(%dma_wait3A_71 : memref<10240x16xf32, #tpu.memory_space<vmem_shared>>)
    }
    %barrier3A_55 = arith.constant 0 : index
    tpu.barrier barrier_id(%barrier3A_55)
    %mul3A_56 = arith.constant 640 : i32
    %mul3A_57 = arith.muli %arg1, %mul3A_56 : i32
    %mul3A_58 = arith.constant 640 : i32
    %mul3A_59 = arith.muli %arg1, %mul3A_58 : i32
    "tpu.region"() ({
      %run_scoped3A = tpu.sem_alloc : memref<!tpu.dma_semaphore, #tpu.memory_space<semaphore_mem>>
      %dma_start3A_60 = arith.constant 0 : i32
      %dma_start3A_61 = tpu.memref_slice %arg4[%arg0, %mul3A_59, %dma_start3A_60] : memref<2x10240x16xf32, #tpu.memory_space<hbm>> -> memref<1x640x16xf32, #tpu.memory_space<hbm>>
      %dma_start3A_62 = tpu.memref_squeeze %dma_start3A_61 : memref<1x640x16xf32, #tpu.memory_space<hbm>> -> memref<640x16xf32, #tpu.memory_space<hbm>>
      %dma_start3A_63 = arith.constant 0 : i32
      %dma_start3A_64 = tpu.memref_slice %arg10[%mul3A_57, %dma_start3A_63] : memref<10240x16xf32, #tpu.memory_space<vmem_shared>> -> memref<640x16xf32, #tpu.memory_space<vmem_shared>>
      tpu.enqueue_dma source(%dma_start3A_64 : memref<640x16xf32, #tpu.memory_space<vmem_shared>>) target(%dma_start3A_62 : memref<640x16xf32, #tpu.memory_space<hbm>>) target_semaphore(%run_scoped3A : memref<!tpu.dma_semaphore, #tpu.memory_space<semaphore_mem>>)
      %dma_wait3A_65 = arith.constant 0 : i32
      %dma_wait3A_66 = tpu.memref_slice %arg4[%arg0, %mul3A_59, %dma_wait3A_65] : memref<2x10240x16xf32, #tpu.memory_space<hbm>> -> memref<1x640x16xf32, #tpu.memory_space<hbm>>
      %dma_wait3A_67 = tpu.memref_squeeze %dma_wait3A_66 : memref<1x640x16xf32, #tpu.memory_space<hbm>> -> memref<640x16xf32, #tpu.memory_space<hbm>>
      %dma_wait3A_68 = arith.constant 0 : i32
      %dma_wait3A_69 = tpu.memref_slice %arg10[%mul3A_57, %dma_wait3A_68] : memref<10240x16xf32, #tpu.memory_space<vmem_shared>> -> memref<640x16xf32, #tpu.memory_space<vmem_shared>>
      tpu.wait_dma2 semaphore(%run_scoped3A : memref<!tpu.dma_semaphore, #tpu.memory_space<semaphore_mem>>) src(%dma_wait3A_69 : memref<640x16xf32, #tpu.memory_space<vmem_shared>>) dst(%dma_wait3A_67 : memref<640x16xf32, #tpu.memory_space<hbm>>)
      tpu.yield
    }) : () -> ()
    "tpu.region"() ({
      %run_scoped3A = tpu.sem_alloc : memref<!tpu.dma_semaphore, #tpu.memory_space<semaphore_mem>>
      %dma_start3A_60 = arith.constant 0 : i32
      %dma_start3A_61 = tpu.memref_slice %arg5[%add3A, %dma_start3A_60] : memref<32x10240xf32, #tpu.memory_space<hbm>> -> memref<1x10240xf32, #tpu.memory_space<hbm>>
      %dma_start3A_62 = tpu.memref_squeeze %dma_start3A_61 : memref<1x10240xf32, #tpu.memory_space<hbm>> -> memref<10240xf32, #tpu.memory_space<hbm>>
      %dma_start3A_63 = arith.constant 0 : i32
      %dma_start3A_64 = tpu.memref_slice %arg5[%add3A, %dma_start3A_63] : memref<32x10240xf32, #tpu.memory_space<hbm>> -> memref<1x10240xf32, #tpu.memory_space<hbm>>
      %dma_start3A_65 = tpu.memref_squeeze %dma_start3A_64 : memref<1x10240xf32, #tpu.memory_space<hbm>> -> memref<10240xf32, #tpu.memory_space<hbm>>
      tpu.enqueue_dma source(%arg8 : memref<10240xf32, #tpu.memory_space<vmem>>) target(%dma_start3A_65 : memref<10240xf32, #tpu.memory_space<hbm>>) target_semaphore(%run_scoped3A : memref<!tpu.dma_semaphore, #tpu.memory_space<semaphore_mem>>)
      %dma_wait3A_66 = arith.constant 0 : i32
      %dma_wait3A_67 = tpu.memref_slice %arg5[%add3A, %dma_wait3A_66] : memref<32x10240xf32, #tpu.memory_space<hbm>> -> memref<1x10240xf32, #tpu.memory_space<hbm>>
      %dma_wait3A_68 = tpu.memref_squeeze %dma_wait3A_67 : memref<1x10240xf32, #tpu.memory_space<hbm>> -> memref<10240xf32, #tpu.memory_space<hbm>>
      %dma_wait3A_69 = arith.constant 0 : i32
      %dma_wait3A_70 = tpu.memref_slice %arg5[%add3A, %dma_wait3A_69] : memref<32x10240xf32, #tpu.memory_space<hbm>> -> memref<1x10240xf32, #tpu.memory_space<hbm>>
      %dma_wait3A_71 = tpu.memref_squeeze %dma_wait3A_70 : memref<1x10240xf32, #tpu.memory_space<hbm>> -> memref<10240xf32, #tpu.memory_space<hbm>>
      tpu.wait_dma2 semaphore(%run_scoped3A : memref<!tpu.dma_semaphore, #tpu.memory_space<semaphore_mem>>) src(%arg8 : memref<10240xf32, #tpu.memory_space<vmem>>) dst(%dma_wait3A_71 : memref<10240xf32, #tpu.memory_space<hbm>>)
      tpu.yield
    }) : () -> ()
    return
  }
}

module attributes {stable_mosaic.version = 14 : i64} {
  func.func @_tc_mlp_body(%arg0: i32, %arg1: memref<2560x256xf32, #tpu.memory_space<vmem>>, %arg2: memref<2x2560x16xbf16, #tpu.memory_space<vmem>>, %arg3: memref<32x2560xf32, #tpu.memory_space<vmem>>, %arg4: memref<2560x1xi8, #tpu.memory_space<vmem>>, %arg5: memref<64x64xf32, #tpu.memory_space<vmem>>, %arg6: memref<256x512xbf16, #tpu.memory_space<vmem>>, %arg7: memref<16x512xbf16, #tpu.memory_space<vmem>>, %arg8: memref<64x512xf32, #tpu.memory_space<vmem>>, %arg9: memref<1x512xf32, #tpu.memory_space<vmem>>, %arg10: memref<512x256xbf16, #tpu.memory_space<vmem>>, %arg11: memref<1x256xf32, #tpu.memory_space<vmem>>, %arg12: memref<2560x256xf32, #tpu.memory_space<vmem>>) attributes {dimension_semantics = [#tpu.dimension_semantics<arbitrary>], iteration_bounds = array<i64: 4>, scalar_prefetch = 0 : i64, scratch_operands = 0 : i64, tpu.core_type = #tpu.core_type<tc>, window_params = [{transform_indices = @transform_0, window_bounds = array<i64: 2560, 256>}, {transform_indices = @transform_1, window_bounds = array<i64: 2, 2560, 16>}, {transform_indices = @transform_2, window_bounds = array<i64: 32, 2560>}, {transform_indices = @transform_3, window_bounds = array<i64: 2560, 1>}, {pipeline_mode = #tpu.pipeline_mode<synchronous>, transform_indices = @transform_4, window_bounds = array<i64: 64, 64>}, {pipeline_mode = #tpu.pipeline_mode<synchronous>, transform_indices = @transform_5, window_bounds = array<i64: 256, 512>}, {pipeline_mode = #tpu.pipeline_mode<synchronous>, transform_indices = @transform_6, window_bounds = array<i64: 16, 512>}, {pipeline_mode = #tpu.pipeline_mode<synchronous>, transform_indices = @transform_7, window_bounds = array<i64: 64, 512>}, {pipeline_mode = #tpu.pipeline_mode<synchronous>, transform_indices = @transform_8, window_bounds = array<i64: 1, 512>}, {pipeline_mode = #tpu.pipeline_mode<synchronous>, transform_indices = @transform_9, window_bounds = array<i64: 512, 256>}, {pipeline_mode = #tpu.pipeline_mode<synchronous>, transform_indices = @transform_10, window_bounds = array<i64: 1, 256>}, {transform_indices = @transform_11, window_bounds = array<i64: 2560, 256>}]} {
    %broadcast_in_dim3A = arith.constant 1.000000e+00 : f32
    %broadcast_in_dim3A_0 = vector.broadcast %broadcast_in_dim3A : f32 to vector<32x1xf32>
    %get3A = arith.constant 0 : index
    %get3A_1 = arith.constant 0 : index
    %get3A_2 = vector.load %arg3[%get3A, %get3A_1] : memref<32x2560xf32, #tpu.memory_space<vmem>>, vector<32x2560xf32>
    %dot_general3A = arith.constant dense<0.000000e+00> : vector<2560x1xf32>
    %dot_general3A_3 = tpu.matmul %get3A_2, %broadcast_in_dim3A_0, %dot_general3A {dimension_numbers = #tpu.dot_dimension_numbers<[0], [0], [1], [1], [0, 1, 1, 1], [], []>, transpose_lhs_hint = false} : vector<32x2560xf32>, vector<32x1xf32>, vector<2560x1xf32> -> vector<2560x1xf32>
    %max3A = arith.constant 1.000000e+00 : f32
    %max3A_4 = vector.broadcast %max3A : f32 to vector<2560x1xf32>
    %max3A_5 = arith.maximumf %dot_general3A_3, %max3A_4 : vector<2560x1xf32>
    %div3A = arith.constant 1.000000e+00 : f32
    %div3A_6 = vector.broadcast %div3A : f32 to vector<2560x1xf32>
    %div3A_7 = arith.divf %div3A_6, %max3A_5 : vector<2560x1xf32>
    %get3A_8 = arith.constant 0 : index
    %get3A_9 = arith.constant 0 : index
    %get3A_10 = vector.load %arg4[%get3A_8, %get3A_9] : memref<2560x1xi8, #tpu.memory_space<vmem>>, vector<2560x1xi8>
    %convert_element_type3A = arith.extsi %get3A_10 : vector<2560x1xi8> to vector<2560x1xi32>
    %iota3A = tpu.iota {dimensions = array<i32: 1>} : vector<2560x64xi32>
    %eq3A = vector.broadcast %convert_element_type3A : vector<2560x1xi32> to vector<2560x64xi32>
    %eq3A_11 = arith.cmpi eq, %eq3A, %iota3A : vector<2560x64xi32>
    %convert_element_type3A_12 = arith.extui %eq3A_11 : vector<2560x64xi1> to vector<2560x64xi32>
    %convert_element_type3A_13 = arith.sitofp %convert_element_type3A_12 : vector<2560x64xi32> to vector<2560x64xf32>
    %get3A_14 = arith.constant 0 : index
    %get3A_15 = arith.constant 0 : index
    %get3A_16 = vector.load %arg5[%get3A_14, %get3A_15] : memref<64x64xf32, #tpu.memory_space<vmem>>, vector<64x64xf32>
    %get3A_17 = arith.constant 0 : index
    %get3A_18 = arith.constant 0 : index
    %get3A_19 = vector.load %arg8[%get3A_17, %get3A_18] : memref<64x512xf32, #tpu.memory_space<vmem>>, vector<64x512xf32>
    %dot_general3A_20 = arith.constant dense<0.000000e+00> : vector<64x512xf32>
    %dot_general3A_21 = tpu.matmul %get3A_16, %get3A_19, %dot_general3A_20 {dimension_numbers = #tpu.dot_dimension_numbers<[1], [0], [0], [1], [0, 0, 1, 1], [], []>, transpose_lhs_hint = false} : vector<64x64xf32>, vector<64x512xf32>, vector<64x512xf32> -> vector<64x512xf32>
    %get3A_22 = arith.constant 0 : index
    %get3A_23 = arith.constant 0 : index
    %get3A_24 = vector.load %arg1[%get3A_22, %get3A_23] : memref<2560x256xf32, #tpu.memory_space<vmem>>, vector<2560x256xf32>
    %convert_element_type3A_25 = arith.truncf %get3A_24 : vector<2560x256xf32> to vector<2560x256xbf16>
    %get3A_26 = arith.constant 0 : index
    %get3A_27 = arith.constant 0 : index
    %get3A_28 = vector.load %arg6[%get3A_26, %get3A_27] : memref<256x512xbf16, #tpu.memory_space<vmem>>, vector<256x512xbf16>
    %dot_general3A_29 = arith.constant dense<0.000000e+00> : vector<2560x512xf32>
    %dot_general3A_30 = tpu.matmul %convert_element_type3A_25, %get3A_28, %dot_general3A_29 {dimension_numbers = #tpu.dot_dimension_numbers<[1], [0], [0], [1], [0, 0, 1, 1], [], []>, transpose_lhs_hint = false} : vector<2560x256xbf16>, vector<256x512xbf16>, vector<2560x512xf32> -> vector<2560x512xf32>
    %get3A_31 = arith.constant 0 : index
    %get3A_32 = arith.constant 0 : index
    %get3A_33 = arith.constant 0 : index
    %get3A_34 = vector.load %arg2[%get3A_31, %get3A_32, %get3A_33] : memref<2x2560x16xbf16, #tpu.memory_space<vmem>>, vector<1x2560x16xbf16>
    %get3A_35 = vector.shape_cast %get3A_34 : vector<1x2560x16xbf16> to vector<2560x16xbf16>
    %get3A_36 = arith.constant 1 : index
    %get3A_37 = arith.constant 0 : index
    %get3A_38 = arith.constant 0 : index
    %get3A_39 = vector.load %arg2[%get3A_36, %get3A_37, %get3A_38] : memref<2x2560x16xbf16, #tpu.memory_space<vmem>>, vector<1x2560x16xbf16>
    %get3A_40 = vector.shape_cast %get3A_39 : vector<1x2560x16xbf16> to vector<2560x16xbf16>
    %add3A = arith.addf %get3A_35, %get3A_40 : vector<2560x16xbf16>
    %get3A_41 = arith.constant 0 : index
    %get3A_42 = arith.constant 0 : index
    %get3A_43 = vector.load %arg7[%get3A_41, %get3A_42] : memref<16x512xbf16, #tpu.memory_space<vmem>>, vector<16x512xbf16>
    %dot_general3A_44 = arith.constant dense<0.000000e+00> : vector<2560x512xf32>
    %dot_general3A_45 = tpu.matmul %add3A, %get3A_43, %dot_general3A_44 {dimension_numbers = #tpu.dot_dimension_numbers<[1], [0], [0], [1], [0, 0, 1, 1], [], []>, transpose_lhs_hint = false} : vector<2560x16xbf16>, vector<16x512xbf16>, vector<2560x512xf32> -> vector<2560x512xf32>
    %mul3A = vector.broadcast %div3A_7 : vector<2560x1xf32> to vector<2560x512xf32>
    %mul3A_46 = arith.mulf %dot_general3A_45, %mul3A : vector<2560x512xf32>
    %add3A_47 = arith.addf %dot_general3A_30, %mul3A_46 : vector<2560x512xf32>
    %dot_general3A_48 = arith.constant dense<0.000000e+00> : vector<2560x512xf32>
    %dot_general3A_49 = tpu.matmul %convert_element_type3A_13, %dot_general3A_21, %dot_general3A_48 {dimension_numbers = #tpu.dot_dimension_numbers<[1], [0], [0], [1], [0, 0, 1, 1], [], []>, transpose_lhs_hint = false} : vector<2560x64xf32>, vector<64x512xf32>, vector<2560x512xf32> -> vector<2560x512xf32>
    %add3A_50 = arith.addf %add3A_47, %dot_general3A_49 : vector<2560x512xf32>
    %get3A_51 = arith.constant 0 : index
    %get3A_52 = arith.constant 0 : index
    %get3A_53 = vector.load %arg9[%get3A_51, %get3A_52] : memref<1x512xf32, #tpu.memory_space<vmem>>, vector<1x512xf32>
    %add3A_54 = vector.broadcast %get3A_53 : vector<1x512xf32> to vector<2560x512xf32>
    %add3A_55 = arith.addf %add3A_50, %add3A_54 : vector<2560x512xf32>
    %max3A_56 = arith.constant 0.000000e+00 : f32
    %max3A_57 = vector.broadcast %max3A_56 : f32 to vector<2560x512xf32>
    %max3A_58 = arith.maximumf %add3A_55, %max3A_57 : vector<2560x512xf32>
    %convert_element_type3A_59 = arith.truncf %max3A_58 : vector<2560x512xf32> to vector<2560x512xbf16>
    %get3A_60 = arith.constant 0 : index
    %get3A_61 = arith.constant 0 : index
    %get3A_62 = vector.load %arg10[%get3A_60, %get3A_61] : memref<512x256xbf16, #tpu.memory_space<vmem>>, vector<512x256xbf16>
    %dot_general3A_63 = arith.constant dense<0.000000e+00> : vector<2560x256xf32>
    %dot_general3A_64 = tpu.matmul %convert_element_type3A_59, %get3A_62, %dot_general3A_63 {dimension_numbers = #tpu.dot_dimension_numbers<[1], [0], [0], [1], [0, 0, 1, 1], [], []>, transpose_lhs_hint = false} : vector<2560x512xbf16>, vector<512x256xbf16>, vector<2560x256xf32> -> vector<2560x256xf32>
    %get3A_65 = arith.constant 0 : index
    %get3A_66 = arith.constant 0 : index
    %get3A_67 = vector.load %arg11[%get3A_65, %get3A_66] : memref<1x256xf32, #tpu.memory_space<vmem>>, vector<1x256xf32>
    %add3A_68 = vector.broadcast %get3A_67 : vector<1x256xf32> to vector<2560x256xf32>
    %add3A_69 = arith.addf %dot_general3A_64, %add3A_68 : vector<2560x256xf32>
    %swap3A = arith.constant 0 : index
    %swap3A_70 = arith.constant 0 : index
    %swap3A_71 = vector.load %arg12[%swap3A, %swap3A_70] : memref<2560x256xf32, #tpu.memory_space<vmem>>, vector<2560x256xf32>
    tpu.vector_store %arg12[%swap3A, %swap3A_70], %add3A_69 {strides = array<i32>} : memref<2560x256xf32, #tpu.memory_space<vmem>>, vector<2560x256xf32>,
    return
  }
  func.func @transform_0(%arg0: i32) -> (i32, i32) {
    %c0_i32 = arith.constant 0 : i32
    %c0_i32_0 = arith.constant 0 : i32
    return %arg0, %c0_i32 : i32, i32
  }
  func.func @transform_1(%arg0: i32) -> (i32, i32, i32) {
    %c0_i32 = arith.constant 0 : i32
    %c0_i32_0 = arith.constant 0 : i32
    %c0_i32_1 = arith.constant 0 : i32
    return %c0_i32, %arg0, %c0_i32_0 : i32, i32, i32
  }
  func.func @transform_2(%arg0: i32) -> (i32, i32) {
    %c0_i32 = arith.constant 0 : i32
    %c0_i32_0 = arith.constant 0 : i32
    return %c0_i32, %arg0 : i32, i32
  }
  func.func @transform_3(%arg0: i32) -> (i32, i32) {
    %c0_i32 = arith.constant 0 : i32
    %c0_i32_0 = arith.constant 0 : i32
    return %arg0, %c0_i32 : i32, i32
  }
  func.func @transform_4(%arg0: i32) -> (i32, i32) {
    %c0_i32 = arith.constant 0 : i32
    %c0_i32_0 = arith.constant 0 : i32
    %c0_i32_1 = arith.constant 0 : i32
    return %c0_i32, %c0_i32_0 : i32, i32
  }
  func.func @transform_5(%arg0: i32) -> (i32, i32) {
    %c0_i32 = arith.constant 0 : i32
    %c0_i32_0 = arith.constant 0 : i32
    %c0_i32_1 = arith.constant 0 : i32
    return %c0_i32, %c0_i32_0 : i32, i32
  }
  func.func @transform_6(%arg0: i32) -> (i32, i32) {
    %c0_i32 = arith.constant 0 : i32
    %c0_i32_0 = arith.constant 0 : i32
    %c0_i32_1 = arith.constant 0 : i32
    return %c0_i32, %c0_i32_0 : i32, i32
  }
  func.func @transform_7(%arg0: i32) -> (i32, i32) {
    %c0_i32 = arith.constant 0 : i32
    %c0_i32_0 = arith.constant 0 : i32
    %c0_i32_1 = arith.constant 0 : i32
    return %c0_i32, %c0_i32_0 : i32, i32
  }
  func.func @transform_8(%arg0: i32) -> (i32, i32) {
    %c0_i32 = arith.constant 0 : i32
    %c0_i32_0 = arith.constant 0 : i32
    %c0_i32_1 = arith.constant 0 : i32
    return %c0_i32, %c0_i32_0 : i32, i32
  }
  func.func @transform_9(%arg0: i32) -> (i32, i32) {
    %c0_i32 = arith.constant 0 : i32
    %c0_i32_0 = arith.constant 0 : i32
    %c0_i32_1 = arith.constant 0 : i32
    return %c0_i32, %c0_i32_0 : i32, i32
  }
  func.func @transform_10(%arg0: i32) -> (i32, i32) {
    %c0_i32 = arith.constant 0 : i32
    %c0_i32_0 = arith.constant 0 : i32
    %c0_i32_1 = arith.constant 0 : i32
    return %c0_i32, %c0_i32_0 : i32, i32
  }
  func.func @transform_11(%arg0: i32) -> (i32, i32) {
    %c0_i32 = arith.constant 0 : i32
    %c0_i32_0 = arith.constant 0 : i32
    return %arg0, %c0_i32 : i32, i32
  }
}

</mosaic_0001>

<sc_bundles>
// kernel: kernel.4.cloned.1.call-start
scs
__scs_entry_jumppad:
0x0: {  	(pc) =	sbr.rel $0x88, $3  }
0x1: {  	(tag) =	ssettag $0x0;
	lr =	simm.s32 $0x1  }
0x2: {  	[smem:$0x3F98] =	sst lr;
	_ =	strace $0xD0000000  }
0x3: {  	_ = 	snop  }
0x4: {  	_ = 	snop  }
0x5: {  	_ = 	snop  }
0x6: {  	_ = 	snop  }
0x7: {  	_ = 	snop  }
__scs_overlays_trampoline_lowered:
0x8: {  	[smem:$0x3FA7] =	sst s0  }
0x9: {  	[smem:$0x3FA8] =	sst s1  }
0xa: {  	[smem:$0x3FA9] =	sst s2  }
0xb: {  	[smem:$0x3FAA] =	sst s3  }
0xc: {  	[smem:$0x3FAB] =	sst s4  }
0xd: {  	[smem:$0x3FAC] =	sst s5  }
0xe: {  	[smem:$0x3FAD] =	sst s6  }
0xf: {  	[smem:$0x3FAE] =	sst s7  }
0x10: {  	[smem:$0x3FAF] =	sst s8  }
0x11: {  	[smem:$0x3FB0] =	sst s9;
	s0 =	simm.s32 @!p0 $0x0  }
0x12: {  	s1 =	sld [smem:$0x3F96];
	s0 =	simm.s32 @p0 $0x1  }
0x13: {  	[smem:$0x3FB1] =	sst s0;
	s0 =	simm.s32 @!p1 $0x0  }
0x14: {  	s2 =	sld [smem:$0x3F95];
	s0 =	simm.s32 @p1 $0x1  }
0x15: {  	[smem:$0x3FB2] =	sst s0;
	s0 =	simm.s32 @!p2 $0x0  }
0x16: {  	s3 =	sld [smem:$0x3FDB];
	s0 =	simm.s32 @p2 $0x1  }
0x17: {  	s4 =	simm.s32 $0x1BF5;
	[smem:$0x3FB4] =	sst s0  }
0x18: {  	s0 =	sld [smem:$0x3F97];
	_ =	swait.ge [sflag:s4], $0x0  }
0x19: {  	s7 =	sld [smem:$0x3F98]  }
0x1a: {  	s8 =	sadd.s32 $0xFFFFE003, lr  }
0x1b: {  	s9 =	sadd.s32 $0xFFFFFEF7, lr;
	s5 =	simm.s32 $0xFFFFFFFF;
	p2 =	slt.u32 s8, $0xFFFFF086  }
0x1c: {  	p1 =	slt.u32 s9, $0xF7A;
	s5 =	simm.s32 @!p2 $0x0  }
0x1d: {  	s5 =	simm.s32 @p1 $0x1;
	p0 =	seq.s32 s7, s2  }
0x1e: {  	s7 =	smul.u32 @!p0 $0xF7A, s2;
	p2 =	seq.s32 @!p0 s5, $0x0  }
0x1f: {  	s9 =	smul.u32 $0xF7A, s1;
	s8 =	simm.s32 @!p0 $0x1BF5;
	p2 =	por !p2, p0  }
0x20: {  	[sflag:s8] =	ssyncset.s32 @!p0 $0xFFFFF086;
	s6 =	sadd.s32 @!p0 s3, s7;
	s7 =	simm.s32 @!p0 $0x108  }
0x21: {  	s3 =	sadd.s32 s3, s9;
	s6 =	sadd.s32 @!p0 $0x88, s6;
	s7 =	simm.s32 @p2 $0x1082  }
0x22: {  	[simem:s7], [sflag:s8] =	dma.local @!p0 [hbm:s6], $0xF7A  }
0x23: {  	s9 =	sor.u32 $0xD0000000, s2;
	s6 =	simm.s32 $0x108;
	_ =	swait.ge @!p0 [sflag:s8], $0x0  }
0x24: {  	s3 =	sadd.s32 $0x88, s3;
	s6 =	simm.s32 @!p1 $0x1082;
	[sflag:s4] =	ssyncset.s32 $0xFFFFF086  }
0x25: {  	[simem:s6], [sflag:s4] =	dma.local [hbm:s3], $0xF7A  }
0x26: {  	[smem:$0x3F98] =	sst s1;
	(tag) =	ssettag s2;
	_ =	strace s9  }
0x27: {  	s1 =	sld [smem:$0x3FA8]  }
0x28: {  	s2 =	sld [smem:$0x3FA9]  }
0x29: {  	s4 =	sld [smem:$0x3FAB]  }
0x2a: {  	p0 =	seq.s32 s5, $0x0;
	s5 =	sld [smem:$0x3FAC]  }
0x2b: {  	s6 =	sld [smem:$0x3FAD]  }
0x2c: {  	s7 =	sld [smem:$0x3FAE]  }
0x2d: {  	s3 =	simm.s32 $0x108;
	s8 =	sld [smem:$0x3FAF]  }
0x2e: {  	s3 =	simm.s32 @!p0 $0x1082;
	s9 =	sld [smem:$0x3FB0]  }
0x2f: {  	lr =	sadd.s32 s0, s3;
	s0 =	sld [smem:$0x3FA7]  }
0x30: {  	s3 =	sld [smem:$0x3FAA]  }
0x31: {  	[smem:$0x3FB3] =	sst s10  }
0x32: {  	s10 =	sld [smem:$0x3FB1];
	_ =	sdelay $0x3  }
0x33: {  	p0 =	seq.s32 s10, $0x1;
	s10 =	sld [smem:$0x3FB3];
	_ =	sdelay $0x3  }
0x34: {  	[smem:$0x3FB3] =	sst s10  }
0x35: {  	s10 =	sld [smem:$0x3FB2];
	_ =	sdelay $0x3  }
0x36: {  	p1 =	seq.s32 s10, $0x1;
	s10 =	sld [smem:$0x3FB3];
	_ =	sdelay $0x3  }
0x37: {  	[smem:$0x3FB3] =	sst s10  }
0x38: {  	s10 =	sld [smem:$0x3FB4]  }
0x39: {  	_ = 	snop;
	(pc) =	sbr.ind lr, $3  }
0x3a: {  	_ = 	snop  }
0x3b: {  	_ = 	snop  }
0x3c: {  	p2 =	seq.s32 s10, $0x1;
	s10 =	sld [smem:$0x3FB3]  }
0x3d: {  	_ =	shalt  }
0x3e: {  	_ =	shalt  }
0x3f: {  	_ =	shalt  }
0x40: {  	_ =	shalt  }
0x41: {  	_ =	shalt  }
0x42: {  	_ =	shalt  }
0x43: {  	_ =	shalt  }
0x44: {  	_ =	shalt  }
0x45: {  	_ =	shalt  }
0x46: {  	_ =	shalt  }
0x47: {  	_ =	shalt  }
0x48: {  	_ =	shalt  }
0x49: {  	_ =	shalt  }
0x4a: {  	_ =	shalt  }
0x4b: {  	_ =	shalt  }
0x4c: {  	_ =	shalt  }
0x4d: {  	_ =	shalt  }
0x4e: {  	_ =	shalt  }
0x4f: {  	_ =	shalt  }
0x50: {  	_ =	shalt  }
0x51: {  	_ =	shalt  }
0x52: {  	_ =	shalt  }
0x53: {  	_ =	shalt  }
0x54: {  	_ =	shalt  }
0x55: {  	_ =	shalt  }
0x56: {  	_ =	shalt  }
0x57: {  	_ =	shalt  }
0x58: {  	_ =	shalt  }
0x59: {  	_ =	shalt  }
0x5a: {  	_ =	shalt  }
0x5b: {  	_ =	shalt  }
0x5c: {  	_ =	shalt  }
0x5d: {  	_ =	shalt  }
0x5e: {  	_ =	shalt  }
0x5f: {  	_ =	shalt  }
0x60: {  	_ =	shalt  }
0x61: {  	_ =	shalt  }
0x62: {  	_ =	shalt  }
0x63: {  	_ =	shalt  }
0x64: {  	_ =	shalt  }
0x65: {  	_ =	shalt  }
0x66: {  	_ =	shalt  }
0x67: {  	_ =	shalt  }
0x68: {  	_ =	shalt  }
0x69: {  	_ =	shalt  }
0x6a: {  	_ =	shalt  }
0x6b: {  	_ =	shalt  }
0x6c: {  	_ =	shalt  }
0x6d: {  	_ =	shalt  }
0x6e: {  	_ =	shalt  }
0x6f: {  	_ =	shalt  }
0x70: {  	_ =	shalt  }
0x71: {  	_ =	shalt  }
0x72: {  	_ =	shalt  }
0x73: {  	_ =	shalt  }
0x74: {  	_ =	shalt  }
0x75: {  	_ =	shalt  }
0x76: {  	_ =	shalt  }
0x77: {  	_ =	shalt  }
0x78: {  	_ =	shalt  }
0x79: {  	_ =	shalt  }
0x7a: {  	_ =	shalt  }
0x7b: {  	_ =	shalt  }
0x7c: {  	_ =	shalt  }
0x7d: {  	_ =	shalt  }
0x7e: {  	_ =	shalt  }
0x7f: {  	_ =	shalt  }
0x80: {  	_ =	shalt  }
0x81: {  	_ =	shalt  }
0x82: {  	_ =	shalt  }
0x83: {  	_ =	shalt  }
0x84: {  	_ =	shalt  }
0x85: {  	_ =	shalt  }
0x86: {  	_ =	shalt  }
0x87: {  	_ =	shalt  }
.Lfunc_end0:
.L_simem_size_0:
called_computation_lowered:
.L_overlay_start_0:
0x88: {  	s2 =	sld [smem:$0x3FD9]  }
0x89: {  	s3 =	sld [smem:$0x3FFE];
	_ =	sdelay $0x1  }
0x8a: {  	s1 =	srdreg.scid  }
0x8b: {  	s0 =	sand.u32 $0x1, s1  }
0x8c: {  	s17 =	sshll.u32 s0, $0xA;
	s2 =	sadd.s32 s3, s2  }
0x8d: {  	s2 =	sadd.s32 s2, s17  }
0x8e: {  	[smem:$0x3FBF] =	sst s2  }
0x8f: {  	_ = 	snop  }
0x90: {  	s2 =	sld [smem:$0x3FD0];
	(tm) =	ssettm $0x1  }
0x91: {  	s18 =	sld [smem:$0x3FFB];
	_ =	sdelay $0x3  }
0x92: {  	_ =	strace s18  }
0x93: {  	s3 =	sld [smem:$0x3FFC];
	_ =	sdelay $0x3  }
0x94: {  	_ =	strace s3  }
0x95: {  	s3 =	sld [smem:$0x3FFD];
	_ =	sdelay $0x3  }
0x96: {  	_ =	strace s3  }
0x97: {  	_ =	strace $0x8FFFFFFF  }
0x98: {  	s19 =	sld [smem:$0x3FDB];
	_ =	sdelay $0x1  }
0x99: {  	s4 =	simm.s32 $_scs_section_size  }
0x9a: {  	s5 =	simm.s32 $_size__tile_overlayer_lowered;
	s6 =	simm.s32 $_tile_overlayer_lowered  }
0x9b: {  	s22 =	simm.s32 $0x1BFF;
	s21 =	sshll.u32 s6, $0x1;
	s3 =	sadd.s32 s4, s19  }
0x9c: {  	s7 =	simm.s32 $0x0;
	s20 =	sshll.u32 s5, $0x1;
	s5 =	sadd.s32 s21, s3  }
0x9d: {  	[timem:s7], [sflag:s22] =	dma.local [hbm:s5], s20  }
0x9e: {  	_ =	swait.ge [sflag:s22], s20  }
0x9f: {  	s4 =	ssub.s32 $0x0, s20;
	[sflag:s22] =	ssyncset.done $0x0  }
0xa0: {  	[sflag:s22] =	ssyncadd.s32 s4;
	_ =	sdelay $0x1  }
0xa1: {  	s23 =	simm.s32 $0x1B8B  }
0xa2: {  	_ =	swait.ge [sflag:s23], $0x1  }
0xa3: {  	[sflag:s23] =	ssyncset.done $0x0  }
0xa4: {  	s25 =	simm.s32 $0x1B8E;
	s24 =	sld [smem:$0x3FFE];
	[sflag:s23] =	ssyncadd.s32 $0xFFFFFFFF  }
0xa5: {  	s26 =	simm.s32 $execute0_lowered;
	[smem:$0x3FD2] =	sst s25  }
0xa6: {  	s5 =	sshll.u32 s26, $0x1;
	_ =	strace $0x80000046;
	[dreg:$0x1] =	wrdreg $0xFFFFFFFF  }
0xa7: {  	s28 =	simm.s32 $_size_execute0_lowered;
	s3 =	sadd.s32 s3, s5;
	[dreg:$0x0] =	wrdreg $0x0  }
0xa8: {  	s5 =	sshll.u32 s28, $0x1;
	[dreg:$0x2] =	wrdreg s3  }
0xa9: {  	[dreg:$0x3] =	wrdreg s5  }
0xaa: {  	[dreg:$0x4] =	wrdreg $0xC0  }
0xab: {  	_ =	task [dreg:s7], $0x5FFFF  }
0xac: {  	[dreg:$0x1] =	wrdreg $0xFFFFFFFF  }
0xad: {  	[dreg:$0x0] =	wrdreg $0x60  }
0xae: {  	[dreg:$0x2] =	wrdreg s2  }
0xaf: {  	[dreg:$0x3] =	wrdreg s24  }
0xb0: {  	[dreg:$0x4] =	wrdreg $0x1A4000  }
0xb1: {  	[dreg:$0x5] =	wrdreg $0x9  }
0xb2: {  	_ =	task.clear_ibuf [dreg:s7], $0x6FFFF;
	_ =	strace $0x90000046  }
0xb3: {  	s29 =	simm.s32 $0x9;
	_ =	strace $0x80000048  }
0xb4: {  	_ =	swait.ge [sflag:s29], $0x1  }
0xb5: {  	[sflag:s29] =	ssyncadd.s32 $0xFFFFFFFF  }
0xb6: {  	_ =	strace $0x90000048  }
0xb7: {  	_ =	sfence  }
0xb8: {  	s30 =	sld [smem:$0x0];
	_ =	sdelay $0x2  }
0xb9: {  	s31 =	sshll.u32 s1, $0xD;
	s1 =	sshrl.u32 s1, $0x2  }
0xba: {  	s3 =	sand.u32 $0x4000, s31;
	s1 =	sadd.s32 s1, s30  }
0xbb: {  	s0 =	sor.u32 s3, s0;
	s1 =	sshll.u32 s1, $0x11  }
0xbc: {  	s0 =	sor.u32 s1, s0  }
0xbd: {  	s0 =	sadd.s32 $0x8F2B, s0  }
0xbe: {  	[sflag:s0] =	ssyncadd.remote.s32 $0x1  }
0xbf: {  	_ =	sfence.sel $0xFFFF  }
0xc0: {  	[dreg:$0x0] =	wrdreg $0xFFFFFFFF;
	(pc) =	sbr.abs _section_cstart, $3  }
0xc1: {  	[dreg:$0x1] =	wrdreg $0xFFFFFFFF  }
0xc2: {  	_ =	task.clear_ibuf [dreg:s7], $0x2FFFF;
	_ =	strace $0x9FFFFFFF  }
0xc3: {  	(tm) =	ssettm $0x7FFFFFFF  }
tec
execute0_lowered:
.L_overlay_start_1:
0x0: {  	(tag) =	ssettag $0x1  }
0x1: {  	s5 =	rddreg [dreg:$0x0]  }
0x2: {  	s6 =	rddreg [dreg:$0x1]  }
0x3: {  	s0 =	srdreg.scid;
	s2 =	rddreg [dreg:$0x2]  }
0x4: {  	s3 =	simm.s32 $0x0;
	s4 =	sand.u32 $0x1, s0;
	s0 =	stileid.u32  }
0x5: {  	s17 =	simm.s32 $0x80;
	s18 =	simm.s32 $0x15400;
	s10 =	smul.u32 $0x2800, s0  }
0x6: {  	s19 =	simm.s32 $0x2;
	s20 =	simm.s32 $0x0;
	s11 =	smul.u32 $0x28000, s4  }
0x7: {  	s1 =	sshll.u32 s4, $0x4;
	s14 =	ssub.s32 $0x2, s4;
	s4 =	smul.u32 $0x270, s4  }
0x8: {  	[smem:$0x7FF] =	sst s3;
	s16 =	smul.u32 $0x27, s0;
	s7 =	sor.u32 s0, s1  }
0x9: {  	s1 =	rddreg [dreg:$0x3];
	_ =	strace $0x80000047;
	s15 =	sshrl.u32 s14, $0x1  }
0xa: {  	s8 =	smul.u32 $0x27, s7;
	s9 =	smin.u32 s7, $0x2;
	s11 =	sadd.s32 s10, s11  }
0xb: {  	s13 =	smul.u32 $0x500, s7;
	s14 =	ssub.s32 s14, s15;
	p0 =	slt.u32 s7, $0x2  }
0xc: {  	s7 =	sadd.s32 s10, s2;
	s15 =	simm.s32 $0x3;
	s11 =	sshrl.u32 s11, $0x3  }
0xd: {  	s26 =	sor.u32 s4, s9;
	s4 =	simm.s32 $0x28;
	s8 =	sadd.s32 s9, s8  }
0xe: {  	s10 =	smax.u32 s14, $0x1;
	s14 =	simm.s32 $0x17C00;
	s8 =	smin.u32 s8, $0x4BA  }
0xf: {  	s11 =	sadd.s32 s11, s6;
	s13 =	sadd.s32 s13, s6;
	s12 =	sshll.u32 s8, $0x4  }
0x10: {  	s4 =	simm.s32 @!p0 $0x27;
	s12 =	sadd.s32 s12, s6;
	s6 =	sadd.s32 s16, s26  }
0x11: {  	s9 =	sadd.s32 $0x11000, s13;
	s13 =	simm.s32 $0x14000;
	s29 =	smax.u32 s6, $0x4BA  }
0x12: {  	s28 =	sshll.u32 s8, $0x8;
	s8 =	sadd.s32 $0x7000, s11;
	s30 =	sadd.s32 $0xFFFFFB46, s29  }
0x13: {  	s5 =	sadd.s32 s5, s28;
	s16 =	simm.s32 $0x1;
	s31 =	sshll.u32 s30, $0x7  }
0x14: {  	v0 =	vimm.f32 $0.0e+00;
	v1 =	vimm.f32 $1.000000000e+00;
	s6 =	sadd.s32 $0x2000, s12;
	s12 =	sshll.u32 s30, $0xB;
	s11 =	sadd.s32 $0x14000, s31  }
.LBB2_1:
0x15: {  	[tilespmem:s3], [sflag:$0x1] =	stream.linear.gather [hbm4b:s5+s3], $0x14000, $0x38;
	[tilespmem:$0x1CC00] =	vst v63  }
0x16: {  	s21 =	simm.s32 $0x40;
	s22 =	simm.s32 $0x0  }
0x17: {  	[tilespmem:s13], [sflag:$0x1] =	stream.linear.gather [hbm4b:s6+s3], $0x1400, $0x38;
	[tilespmem:$0x1CC00] =	vst v63  }
.LBB2_2:
0x18: {  	p0 =	sne.s32 s21, $0x9FC0;
	[tilespmem:s22+$0x15400] =	vst v0;
	s23 =	smov.u32 s21;
	s21 =	sadd.s32 $0x40, s21  }
.Ltmp0:
0x19: {  	[tilespmem:s22+$0x17C00] =	vst v0;
	(pc) =	sbr.rel @p0 .LBB2_2-.Ltmp0, $2  }
0x1a: {  	_ =	sdelay $0x2  }
0x1b: {  	s22 =	sshra.s32 s23, $0x2  }
0x1c: {  	[tilespmem:s22+$0x15400] =	vst v0  }
0x1d: {  	[tilespmem:s22+$0x17C00] =	vst v0  }
0x1e: {  	[spmem:s7] =	stream.linear.scatter [tilespmem:s14], [sflag:$0x3], $0x2800, $0x38;
	[tilespmem:$0x1CC00] =	vst v63  }
0x1f: {  	_ =	swait.ge [sflag:s15], $0x2800  }
0x20: {  	[sflag:s15] =	ssyncset.done $0x0  }
0x21: {  	[sflag:s15] =	ssyncadd.s32 $0xFFFFD800  }
0x22: {  	_ =	swait.ge [sflag:s16], $0x14000  }
0x23: {  	[sflag:s16] =	ssyncset.done $0x0  }
0x24: {  	[sflag:s16] =	ssyncadd.s32 $0xFFFEC000  }
0x25: {  	_ =	swait.ge [sflag:s16], $0x1400  }
0x26: {  	[sflag:s16] =	ssyncset.done $0x0  }
0x27: {  	s21 =	simm.s32 $0x0;
	[sflag:s16] =	ssyncadd.s32 $0xFFFFEC00  }
0x28: {  	s22 =	smov.u32 s12;
	s23 =	smov.u32 s11;
	[bflag:$0x0] =	sbarrier.arrive $0xFFFF  }
.LBB2_4:
0x29: {  	[spmem:s2] =	stream.indirect.scatter.add.f32 [tilespmem:s22], [sflag:$0x2], $0x10, s23, s17, $0xb8;
	[tilespmem:$0x1CC00] =	vst v63  }
0x2a: {  	p0 =	slt.u32 s21, $0x8  }
0x2b: {  	s24 =	simm.s32 @!p0 $0x2  }
0x2c: {  	_ =	swait.ge @!p0 [sflag:s24], $0x800  }
0x2d: {  	[sflag:s24] =	ssyncset.done @!p0 $0x0  }
0x2e: {  	[sflag:s24] =	ssyncadd.s32 @!p0 $0xFFFFF800  }
0x2f: {  	v2 =	vld [tilespmem:s23+$0x0];
	_ =	sdelay $0x7  }
0x30: {  	[tilespmem:v2+s18+$0x0] =	vst.idx.add.f32.msk $0xffff, v1  }
0x31: {  	v2 =	vld [tilespmem:s23+$0x10];
	_ =	sdelay $0x7  }
0x32: {  	[tilespmem:v2+s18+$0x0] =	vst.idx.add.f32.msk $0xffff, v1  }
0x33: {  	v2 =	vld [tilespmem:s23+$0x20];
	_ =	sdelay $0x7  }
0x34: {  	[tilespmem:v2+s18+$0x0] =	vst.idx.add.f32.msk $0xffff, v1  }
0x35: {  	v2 =	vld [tilespmem:s23+$0x30];
	_ =	sdelay $0x7  }
0x36: {  	[tilespmem:v2+s18+$0x0] =	vst.idx.add.f32.msk $0xffff, v1  }
0x37: {  	v2 =	vld [tilespmem:s23+$0x40];
	_ =	sdelay $0x7  }
0x38: {  	[tilespmem:v2+s18+$0x0] =	vst.idx.add.f32.msk $0xffff, v1  }
0x39: {  	v2 =	vld [tilespmem:s23+$0x50];
	_ =	sdelay $0x7  }
0x3a: {  	[tilespmem:v2+s18+$0x0] =	vst.idx.add.f32.msk $0xffff, v1  }
0x3b: {  	v2 =	vld [tilespmem:s23+$0x60];
	_ =	sdelay $0x7  }
0x3c: {  	[tilespmem:v2+s18+$0x0] =	vst.idx.add.f32.msk $0xffff, v1  }
0x3d: {  	v2 =	vld [tilespmem:s23+$0x70];
	_ =	sdelay $0x1  }
0x3e: {  	s21 =	sadd.s32 $0x1, s21  }
0x3f: {  	p0 =	sne.s32 s4, s21  }
.Ltmp1:
0x40: {  	_ = 	snop;
	(pc) =	sbr.rel @p0 .LBB2_4-.Ltmp1, $2  }
0x41: {  	_ =	sdelay $0x2  }
0x42: {  	s22 =	sadd.s32 $0x800, s22;
	s23 =	sadd.s32 $0x80, s23;
	[tilespmem:v2+s18+$0x0] =	vst.idx.add.f32.msk $0xffff, v1  }
0x43: {  	_ =	swait.ge [sflag:s19], $0x800  }
0x44: {  	[sflag:s19] =	ssyncset.done $0x0  }
0x45: {  	[sflag:s19] =	ssyncadd.s32 $0xFFFFF800  }
0x46: {  	_ =	swait.ge [sflag:s19], $0x800  }
0x47: {  	[sflag:s19] =	ssyncset.done $0x0  }
0x48: {  	[sflag:s19] =	ssyncadd.s32 $0xFFFFF800  }
0x49: {  	_ =	swait.ge [sflag:s19], $0x800  }
0x4a: {  	[sflag:s19] =	ssyncset.done $0x0  }
0x4b: {  	[sflag:s19] =	ssyncadd.s32 $0xFFFFF800  }
0x4c: {  	_ =	swait.ge [sflag:s19], $0x800  }
0x4d: {  	[sflag:s19] =	ssyncset.done $0x0  }
0x4e: {  	[sflag:s19] =	ssyncadd.s32 $0xFFFFF800  }
0x4f: {  	_ =	swait.ge [sflag:s19], $0x800  }
0x50: {  	[sflag:s19] =	ssyncset.done $0x0  }
0x51: {  	[sflag:s19] =	ssyncadd.s32 $0xFFFFF800  }
0x52: {  	_ =	swait.ge [sflag:s19], $0x800  }
0x53: {  	[sflag:s19] =	ssyncset.done $0x0  }
0x54: {  	[sflag:s19] =	ssyncadd.s32 $0xFFFFF800  }
0x55: {  	_ =	swait.ge [sflag:s19], $0x800  }
0x56: {  	[sflag:s19] =	ssyncset.done $0x0  }
0x57: {  	[sflag:s19] =	ssyncadd.s32 $0xFFFFF800  }
0x58: {  	_ =	swait.ge [sflag:s19], $0x800  }
0x59: {  	[sflag:s19] =	ssyncset.done $0x0  }
0x5a: {  	s21 =	sshll.u32 s0, $0x6;
	[sflag:s19] =	ssyncadd.s32 $0xFFFFF800  }
0x5b: {  	s22 =	sshrl.u32 s7, $0x3;
	s21 =	sor.u32 $0x1C03, s21;
	[bflag:$0x0] =	sbarrier.arrive $0xFFFF  }
0x5c: {  	[hbm:s8], [sflag:s21] =	dma.local [spmem:s22], $0x500  }
0x5d: {  	s20 =	sadd.s32 $0x1, s20;
	_ =	swait.ge [sflag:s15], $0x500  }
0x5e: {  	p0 =	sne.s32 s20, s10;
	[sflag:s15] =	ssyncset.done $0x0  }
.Ltmp2:
0x5f: {  	[sflag:s15] =	ssyncadd.s32 $0xFFFFFB00;
	(pc) =	sbr.rel @p0 .LBB2_1-.Ltmp2, $4  }
0x60: {  	[hbm4b:s9+s3] =	stream.linear.scatter [tilespmem:s18], [sflag:$0x3], $0x2800, $0x38;
	[tilespmem:$0x1CC00] =	vst v63  }
0x61: {  	_ =	swait.ge [sflag:s15], $0x2800  }
0x62: {  	[sflag:s15] =	ssyncset.done $0x0  }
0x63: {  	[sflag:s15] =	ssyncadd.s32 $0xFFFFD800  }
0x64: {  	_ =	sfence.sel $0x180000  }
0x65: {  	[bflag:$0x0] =	sbarrier.arrive $0xFFFF  }
0x66: {  	p0 =	sne.s32 s0, $0x0;
	_ =	strace $0x90000047  }
0x67: {  	s0 =	sadd.s32 @!p0 $0x100000, s1;
	[bflag:$0x2] =	sbarrier.arrive $0xFFFF  }
0x68: {  	[sflag:s0] =	ssyncadd.tile.s32 @!p0 $0x1;
	_ =	shalt  }
.Lfunc_end2:
_tile_overlayer_lowered:
.L_overlay_start_2:
0x69: {  	(tag) =	ssettag $0x2  }
0x6a: {  	s0 =	rddreg [dreg:$0x0];
	s2 =	stileid.u32  }
0x6b: {  	s1 =	rddreg [dreg:$0x1];
	p0 =	sne.s32 s2, $0x0  }
0x6c: {  	s3 =	rddreg [dreg:$0x2];
	[bflag:$0x3] =	sbarrier.arrive $0xFFFF;
	s2 =	simm.s32 @!p0 $0x1C03  }
0x6d: {  	[timem:s3], [sflag:s2] =	dma.local @!p0 [hbm:s0], s1  }
0x6e: {  	s0 =	simm.s32 @!p0 $0x3  }
0x6f: {  	_ =	swait.ge @!p0 [sflag:s0], s1  }
0x70: {  	s1 =	ssub.s32 @!p0 $0x0, s1;
	[sflag:s0] =	ssyncset.done @!p0 $0x0  }
0x71: {  	[sflag:s0] =	ssyncadd.s32 @!p0 s1  }
0x72: {  	[bflag:$0x3] =	sbarrier.arrive $0xFFFF  }
0x73: {  	_ =	shalt  }

</sc_bundles>
